<compile_context>
chip_gen: v7x
topology: tpu7x:2x2x1
jax: 0.10.2.dev20260603
libtpu: 0.0.44.dev20260713+nightly
codegen_flags: <defaults>
</compile_context>

<pallas_src>
import functools

import jax
import jax.numpy as jnp
from jax import lax
from jax.experimental import pallas as pl
from jax.experimental.pallas import tpu as pltpu
from jax.experimental.pallas import tpu_sc as plsc

BATCH = 16384
HIDDEN = 64
NROWS = 1000000
G = 8192
NGM = NROWS // (2 * G)
SPLIT = NGM * 2 * G
NTAIL = NROWS - SPLIT
TAILBASE = NGM * G
PROWS = (NGM + 1) * G


def _repack_body(x1_ref, x2_ref, tail_ref, out_ref):
    j = pl.program_id(0)

    @pl.when(j < NGM)
    def _():
        eye = jnp.eye(HIDDEN, dtype=jnp.float32)
        dn = (((0,), (0,)), ((), ()))
        t1 = lax.dot_general(x1_ref[...], eye, dn,
                             preferred_element_type=jnp.float32)
        t2 = lax.dot_general(x2_ref[...], eye, dn,
                             preferred_element_type=jnp.float32)
        out_ref[...] = jnp.concatenate([t1, t2], axis=1)

    @pl.when(j == NGM)
    def _():
        out_ref[...] = tail_ref[...]


def _repack(t_t, tail_pk):
    clamp = lambda b: jnp.minimum(b, 2 * NGM - 1)
    return pl.pallas_call(
        _repack_body,
        grid=(NGM + 1,),
        in_specs=[
            pl.BlockSpec((HIDDEN, G), lambda j: (0, clamp(2 * j))),
            pl.BlockSpec((HIDDEN, G), lambda j: (0, clamp(2 * j + 1))),
            pl.BlockSpec((G, 2 * HIDDEN), lambda j: (0, 0)),
        ],
        out_specs=pl.BlockSpec((G, 2 * HIDDEN), lambda j: (j, 0)),
        out_shape=jax.ShapeDtypeStruct((PROWS, 2 * HIDDEN), jnp.float32),
    )(t_t, t_t, tail_pk)


def _sc_gather(up, ip, user_id, item_id):
    info = plsc.get_sparse_core_info()
    nc, ns = info.num_cores, info.num_subcores
    nw = nc * ns
    bpw = BATCH // nw
    lanes = 16
    nvec = bpw // lanes
    qchunk = 128
    nq = bpw // qchunk
    mesh = plsc.VectorSubcoreMesh(core_axis_name="c", subcore_axis_name="s")

    @functools.partial(
        pl.kernel,
        mesh=mesh,
        compiler_params=pltpu.CompilerParams(use_tc_tiling_on_sc=False),
        out_type=[
            jax.ShapeDtypeStruct((BATCH, 2 * HIDDEN), jnp.float32),
            jax.ShapeDtypeStruct((BATCH, 2 * HIDDEN), jnp.float32),
        ],
        scratch_types=[
            pltpu.VMEM((bpw,), jnp.int32),
            pltpu.VMEM((bpw,), jnp.int32),
            pltpu.VMEM((bpw, 2 * HIDDEN), jnp.float32),
            pltpu.SemaphoreType.DMA,
        ],
    )
    def k(upt, ipt, uid, iid, out_u, out_i, idx_v, p_v, buf, sem):
        wid = lax.axis_index("s") * nc + lax.axis_index("c")
        base = wid * bpw

        def one_table(table, ids_hbm, out_hbm):
            pltpu.sync_copy(ids_hbm.at[pl.ds(base, bpw)], idx_v)

            def fold(m, carry):
                v = idx_v[pl.ds(m * lanes, lanes)]
                p = ((v >> 14) << 13) + (v & (G - 1))
                p_v[pl.ds(m * lanes, lanes)] = jnp.where(
                    v >= SPLIT, v - SPLIT + TAILBASE, p)
                return carry

            lax.fori_loop(0, nvec, fold, 0)
            pltpu.async_copy(table.at[p_v], buf, sem).wait()
            pltpu.sync_copy(buf, out_hbm.at[pl.ds(base, bpw)])

        one_table(upt, uid, out_u)
        one_table(ipt, iid, out_i)

    return k(up, ip, user_id, item_id)


def _mlp_body(u_ref, i_ref, um_ref, im_ref, w1a, w1b, b1r, w2, b2r, w3, b3r,
              out_ref):
    d = HIDDEN
    upk = u_ref[...]
    ipk = i_ref[...]
    u = jnp.where(um_ref[...] > 0.5, upk[:, d:], upk[:, :d])
    i = jnp.where(im_ref[...] > 0.5, ipk[:, d:], ipk[:, :d])
    h = jnp.dot(u, w1a[...], preferred_element_type=jnp.float32)
    h = h + jnp.dot(i, w1b[...], preferred_element_type=jnp.float32)
    h = jnp.maximum(h + b1r[...], 0.0)
    h = jnp.dot(h, w2[...], preferred_element_type=jnp.float32) + b2r[...]
    h = jnp.maximum(h, 0.0)
    out_ref[...] = jnp.dot(h, w3[...], preferred_element_type=jnp.float32) + b3r[...]


def _mlp(upk, ipk, umask, imask, W1, b1, W2, b2, W3, b3):
    d = HIDDEN
    rows = 2048
    grid = (BATCH // rows,)
    full = lambda shape: pl.BlockSpec(shape, lambda r: (0, 0))
    return pl.pallas_call(
        _mlp_body,
        grid=grid,
        in_specs=[
            pl.BlockSpec((rows, 2 * d), lambda r: (r, 0)),
            pl.BlockSpec((rows, 2 * d), lambda r: (r, 0)),
            pl.BlockSpec((rows, 1), lambda r: (r, 0)),
            pl.BlockSpec((rows, 1), lambda r: (r, 0)),
            full((d, d)),
            full((d, d)),
            full((1, d)),
            full((d, d // 2)),
            full((1, d // 2)),
            full((d // 2, d // 4)),
            full((1, d // 4)),
        ],
        out_specs=pl.BlockSpec((rows, d // 4), lambda r: (r, 0)),
        out_shape=jax.ShapeDtypeStruct((BATCH, d // 4), jnp.float32),
    )(upk, ipk, umask, imask, W1[:d], W1[d:], b1.reshape(1, d), W2,
      b2.reshape(1, d // 2), W3, b3.reshape(1, d // 4))


def kernel(user_id, item_id, user_table, item_table, W1, b1, W2, b2, W3, b3):
    uid = user_id.astype(jnp.int32)
    iid = item_id.astype(jnp.int32)

    def tail_pack(table):
        tail_rows = table[SPLIT:]
        tail_pk = jnp.concatenate(
            [tail_rows, jnp.zeros((NTAIL, HIDDEN), jnp.float32)], axis=1)
        return jnp.pad(tail_pk, ((0, G - NTAIL), (0, 0)))

    up = _repack(user_table.T, tail_pack(user_table))
    ip = _repack(item_table.T, tail_pack(item_table))
    upk, ipk = _sc_gather(up, ip, uid, iid)

    def half_mask(v):
        m = jnp.where(v >= SPLIT, 0, (v >> 13) & 1)
        return m.astype(jnp.float32).reshape(BATCH, 1)

    return _mlp(upk, ipk, half_mask(uid), half_mask(iid),
                W1, b1, W2, b2, W3, b3)

# --- scband reference (transcript-rebuilt; emitter-appended) ---
"""Pipeline reference for scband-ncf-7310034338222 (READ-ONLY COPY).

The authoritative reference and input builder live on the scoring server;
editing this copy changes nothing except your own understanding.
"""

import jax, jax.numpy as jnp
import numpy as np

NUM_USERS = 1000000
NUM_ITEMS = 1000000
HIDDEN = 64
BATCH = 16384

def setup_inputs(seed: int = 0) -> dict:
    key = jax.random.key(seed)
    ks = jax.random.split(key, 12)
    user_id = jax.random.randint(ks[0], (BATCH,), 0, NUM_USERS)
    item_id = jax.random.randint(ks[1], (BATCH,), 0, NUM_ITEMS)
    user_table = jax.random.normal(ks[2], (NUM_USERS, HIDDEN), dtype=jnp.float32) * 0.02
    item_table = jax.random.normal(ks[3], (NUM_ITEMS, HIDDEN), dtype=jnp.float32) * 0.02
    W1 = jax.random.normal(ks[4], (HIDDEN * 2, HIDDEN), dtype=jnp.float32) * (1.0 / np.sqrt(HIDDEN * 2))
    b1 = jnp.zeros((HIDDEN,), dtype=jnp.float32)
    W2 = jax.random.normal(ks[5], (HIDDEN, HIDDEN // 2), dtype=jnp.float32) * (1.0 / np.sqrt(HIDDEN))
    b2 = jnp.zeros((HIDDEN // 2,), dtype=jnp.float32)
    W3 = jax.random.normal(ks[6], (HIDDEN // 2, HIDDEN // 4), dtype=jnp.float32) * (1.0 / np.sqrt(HIDDEN // 2))
    b3 = jnp.zeros((HIDDEN // 4,), dtype=jnp.float32)
    return {"user_id": user_id, "item_id": item_id, "user_table": user_table, "item_table": item_table,
            "W1": W1, "b1": b1, "W2": W2, "b2": b2, "W3": W3, "b3": b3}

def reference(user_id, item_id, user_table, item_table, W1, b1, W2, b2, W3, b3):
    user_emb = jnp.take(user_table, user_id, axis=0)
    item_emb = jnp.take(item_table, item_id, axis=0)
    inputs = jnp.concatenate([user_emb, item_emb], axis=-1)
    h = jnp.maximum(inputs @ W1 + b1, 0.0)
    h = jnp.maximum(h @ W2 + b2, 0.0)
    outs = h @ W3 + b3
    return outs

if __name__ == "__main__":
    import jax
    _d = setup_inputs()
    print(jax.jit(kernel)(*tuple(_d.values())))

</pallas_src>

<mosaic_0001>
#map = affine_map<(d0, d1) -> (0, 0)>
#map1 = affine_map<(d0, d1) -> (0)>
module attributes {stable_mosaic.version = 14 : i64} {
  func.func @k(%arg0: i32, %arg1: i32, %arg2: memref<507904x128xf32, #tpu.memory_space<hbm>>, %arg3: memref<507904x128xf32, #tpu.memory_space<hbm>>, %arg4: memref<16384xi32, #tpu.memory_space<hbm>>, %arg5: memref<16384xi32, #tpu.memory_space<hbm>>, %arg6: memref<16384x128xf32, #tpu.memory_space<hbm>>, %arg7: memref<16384x128xf32, #tpu.memory_space<hbm>>, %arg8: memref<512xi32, #tpu.memory_space<vmem>>, %arg9: memref<512xi32, #tpu.memory_space<vmem>>, %arg10: memref<512x128xf32, #tpu.memory_space<vmem>>, %arg11: memref<!tpu.dma_semaphore, #tpu.memory_space<semaphore_mem>>) attributes {dimension_semantics = [#tpu.dimension_semantics<core_parallel>, #tpu.dimension_semantics<subcore_parallel>], iteration_bounds = array<i64: 2, 16>, scalar_prefetch = 0 : i64, scratch_operands = 4 : i64, tpu.core_type = #tpu.core_type<sc_vector_subcore>, window_params = [{transform_indices = #map}, {transform_indices = #map}, {transform_indices = #map1}, {transform_indices = #map1}, {transform_indices = #map}, {transform_indices = #map}]} {
    %mul3A = arith.constant 2 : i32
    %mul3A_0 = arith.muli %arg1, %mul3A : i32
    %add3A = arith.addi %mul3A_0, %arg0 : i32
    %mul3A_1 = arith.constant 512 : i32
    %mul3A_2 = arith.muli %add3A, %mul3A_1 : i32
    "tpu.region"() ({
      %run_scoped3A = tpu.sem_alloc : memref<!tpu.dma_semaphore, #tpu.memory_space<semaphore_mem>>
      %dma_start3A_24 = tpu.memref_slice %arg4[%mul3A_2] : memref<16384xi32, #tpu.memory_space<hbm>> -> memref<512xi32, #tpu.memory_space<hbm>>
      %dma_start3A_25 = tpu.memref_slice %arg4[%mul3A_2] : memref<16384xi32, #tpu.memory_space<hbm>> -> memref<512xi32, #tpu.memory_space<hbm>>
      tpu.enqueue_dma source(%dma_start3A_25 : memref<512xi32, #tpu.memory_space<hbm>>) target(%arg8 : memref<512xi32, #tpu.memory_space<vmem>>) target_semaphore(%run_scoped3A : memref<!tpu.dma_semaphore, #tpu.memory_space<semaphore_mem>>)
      %dma_wait3A_26 = tpu.memref_slice %arg4[%mul3A_2] : memref<16384xi32, #tpu.memory_space<hbm>> -> memref<512xi32, #tpu.memory_space<hbm>>
      %dma_wait3A_27 = tpu.memref_slice %arg4[%mul3A_2] : memref<16384xi32, #tpu.memory_space<hbm>> -> memref<512xi32, #tpu.memory_space<hbm>>
      tpu.wait_dma2 semaphore(%run_scoped3A : memref<!tpu.dma_semaphore, #tpu.memory_space<semaphore_mem>>) src(%dma_wait3A_27 : memref<512xi32, #tpu.memory_space<hbm>>) dst(%arg8 : memref<512xi32, #tpu.memory_space<vmem>>)
      tpu.yield
    }) : () -> ()
    %scan3A = arith.constant 0 : i32
    %scan3A_3 = arith.constant 0 : i32
    %scan3A_4 = arith.constant 32 : i32
    %scan3A_5 = arith.addi %scan3A_3, %scan3A_4 : i32
    %scan3A_6 = arith.constant 1 : i32
    scf.for %scan3A_24 = %scan3A_3 to %scan3A_5 step %scan3A_6  : i32 {
      %mul3A_25 = arith.constant 16 : i32
      %mul3A_26 = arith.muli %scan3A_24, %mul3A_25 : i32
      %get3A = arith.index_cast %mul3A_26 : i32 to index
      %get3A_27 = tpu.vector_load %arg8[%get3A] {strides = array<i32>} : memref<512xi32, #tpu.memory_space<vmem>>, vector<16xi32>,
      %get3A_28 = vector.shape_cast %get3A_27 : vector<16xi32> to vector<16xi32>
      %shift_right_arithmetic3A = arith.constant 14 : i32
      %shift_right_arithmetic3A_29 = vector.broadcast %shift_right_arithmetic3A : i32 to vector<16xi32>
      %shift_right_arithmetic3A_30 = arith.shrsi %get3A_28, %shift_right_arithmetic3A_29 : vector<16xi32>
      %shift_left3A = arith.constant 13 : i32
      %shift_left3A_31 = vector.broadcast %shift_left3A : i32 to vector<16xi32>
      %shift_left3A_32 = arith.shli %shift_right_arithmetic3A_30, %shift_left3A_31 : vector<16xi32>
      %and3A = arith.constant 8191 : i32
      %and3A_33 = vector.broadcast %and3A : i32 to vector<16xi32>
      %and3A_34 = arith.andi %get3A_28, %and3A_33 : vector<16xi32>
      %add3A_35 = arith.addi %shift_left3A_32, %and3A_34 : vector<16xi32>
      %ge3A = arith.constant 999424 : i32
      %ge3A_36 = vector.broadcast %ge3A : i32 to vector<16xi32>
      %ge3A_37 = arith.cmpi sge, %get3A_28, %ge3A_36 : vector<16xi32>
      %sub3A = arith.constant 999424 : i32
      %sub3A_38 = vector.broadcast %sub3A : i32 to vector<16xi32>
      %sub3A_39 = arith.subi %get3A_28, %sub3A_38 : vector<16xi32>
      %add3A_40 = arith.constant 499712 : i32
      %add3A_41 = vector.broadcast %add3A_40 : i32 to vector<16xi32>
      %add3A_42 = arith.addi %sub3A_39, %add3A_41 : vector<16xi32>
      %select_n3A = arith.select %ge3A_37, %add3A_42, %add3A_35 : vector<16xi1>, vector<16xi32>
      %mul3A_43 = arith.constant 16 : i32
      %mul3A_44 = arith.muli %scan3A_24, %mul3A_43 : i32
      %swap3A = arith.index_cast %mul3A_44 : i32 to index
      %swap3A_45 = tpu.vector_load %arg9[%swap3A] {strides = array<i32>} : memref<512xi32, #tpu.memory_space<vmem>>, vector<16xi32>,
      %swap3A_46 = vector.shape_cast %swap3A_45 : vector<16xi32> to vector<16xi32>
      %swap3A_47 = vector.shape_cast %select_n3A : vector<16xi32> to vector<16xi32>
      tpu.vector_store %arg9[%swap3A], %swap3A_47 {strides = array<i32>} : memref<512xi32, #tpu.memory_space<vmem>>, vector<16xi32>,
    }
    %scan3A_7 = arith.constant 32 : i32
    %dma_start3A = arith.constant 0 : i32
    %dma_start3A_8 = arith.constant 0 : i32
    %dma_start3A_9 = tpu.memref_slice %arg2[%dma_start3A, %dma_start3A_8] : memref<507904x128xf32, #tpu.memory_space<hbm>> -> memref<507904x128xf32, #tpu.memory_space<hbm>>
    tpu.enqueue_indirect_dma source(%dma_start3A_9 : memref<507904x128xf32, #tpu.memory_space<hbm>>) target(%arg10 : memref<512x128xf32, #tpu.memory_space<vmem>>) offsets(%arg9 : memref<512xi32, #tpu.memory_space<vmem>>) semaphore(%arg11 : memref<!tpu.dma_semaphore, #tpu.memory_space<semaphore_mem>>)
    %dma_wait3A = arith.constant 0 : i32
    %dma_wait3A_10 = arith.constant 0 : i32
    %dma_wait3A_11 = tpu.memref_slice %arg2[%dma_wait3A, %dma_wait3A_10] : memref<507904x128xf32, #tpu.memory_space<hbm>> -> memref<507904x128xf32, #tpu.memory_space<hbm>>
    tpu.wait_indirect_dma semaphore(%arg11 : memref<!tpu.dma_semaphore, #tpu.memory_space<semaphore_mem>>) src(%dma_wait3A_11 : memref<507904x128xf32, #tpu.memory_space<hbm>>) dst(%arg10 : memref<512x128xf32, #tpu.memory_space<vmem>>)
    "tpu.region"() ({
      %run_scoped3A = tpu.sem_alloc : memref<!tpu.dma_semaphore, #tpu.memory_space<semaphore_mem>>
      %dma_start3A_24 = arith.constant 0 : i32
      %dma_start3A_25 = tpu.memref_slice %arg6[%mul3A_2, %dma_start3A_24] : memref<16384x128xf32, #tpu.memory_space<hbm>> -> memref<512x128xf32, #tpu.memory_space<hbm>>
      %dma_start3A_26 = arith.constant 0 : i32
      %dma_start3A_27 = tpu.memref_slice %arg6[%mul3A_2, %dma_start3A_26] : memref<16384x128xf32, #tpu.memory_space<hbm>> -> memref<512x128xf32, #tpu.memory_space<hbm>>
      tpu.enqueue_dma source(%arg10 : memref<512x128xf32, #tpu.memory_space<vmem>>) target(%dma_start3A_27 : memref<512x128xf32, #tpu.memory_space<hbm>>) target_semaphore(%run_scoped3A : memref<!tpu.dma_semaphore, #tpu.memory_space<semaphore_mem>>)
      %dma_wait3A_28 = arith.constant 0 : i32
      %dma_wait3A_29 = tpu.memref_slice %arg6[%mul3A_2, %dma_wait3A_28] : memref<16384x128xf32, #tpu.memory_space<hbm>> -> memref<512x128xf32, #tpu.memory_space<hbm>>
      %dma_wait3A_30 = arith.constant 0 : i32
      %dma_wait3A_31 = tpu.memref_slice %arg6[%mul3A_2, %dma_wait3A_30] : memref<16384x128xf32, #tpu.memory_space<hbm>> -> memref<512x128xf32, #tpu.memory_space<hbm>>
      tpu.wait_dma2 semaphore(%run_scoped3A : memref<!tpu.dma_semaphore, #tpu.memory_space<semaphore_mem>>) src(%arg10 : memref<512x128xf32, #tpu.memory_space<vmem>>) dst(%dma_wait3A_31 : memref<512x128xf32, #tpu.memory_space<hbm>>)
      tpu.yield
    }) : () -> ()
    "tpu.region"() ({
      %run_scoped3A = tpu.sem_alloc : memref<!tpu.dma_semaphore, #tpu.memory_space<semaphore_mem>>
      %dma_start3A_24 = tpu.memref_slice %arg5[%mul3A_2] : memref<16384xi32, #tpu.memory_space<hbm>> -> memref<512xi32, #tpu.memory_space<hbm>>
      %dma_start3A_25 = tpu.memref_slice %arg5[%mul3A_2] : memref<16384xi32, #tpu.memory_space<hbm>> -> memref<512xi32, #tpu.memory_space<hbm>>
      tpu.enqueue_dma source(%dma_start3A_25 : memref<512xi32, #tpu.memory_space<hbm>>) target(%arg8 : memref<512xi32, #tpu.memory_space<vmem>>) target_semaphore(%run_scoped3A : memref<!tpu.dma_semaphore, #tpu.memory_space<semaphore_mem>>)
      %dma_wait3A_26 = tpu.memref_slice %arg5[%mul3A_2] : memref<16384xi32, #tpu.memory_space<hbm>> -> memref<512xi32, #tpu.memory_space<hbm>>
      %dma_wait3A_27 = tpu.memref_slice %arg5[%mul3A_2] : memref<16384xi32, #tpu.memory_space<hbm>> -> memref<512xi32, #tpu.memory_space<hbm>>
      tpu.wait_dma2 semaphore(%run_scoped3A : memref<!tpu.dma_semaphore, #tpu.memory_space<semaphore_mem>>) src(%dma_wait3A_27 : memref<512xi32, #tpu.memory_space<hbm>>) dst(%arg8 : memref<512xi32, #tpu.memory_space<vmem>>)
      tpu.yield
    }) : () -> ()
    %scan3A_12 = arith.constant 0 : i32
    %scan3A_13 = arith.constant 0 : i32
    %scan3A_14 = arith.constant 32 : i32
    %scan3A_15 = arith.addi %scan3A_13, %scan3A_14 : i32
    %scan3A_16 = arith.constant 1 : i32
    scf.for %scan3A_24 = %scan3A_13 to %scan3A_15 step %scan3A_16  : i32 {
      %mul3A_25 = arith.constant 16 : i32
      %mul3A_26 = arith.muli %scan3A_24, %mul3A_25 : i32
      %get3A = arith.index_cast %mul3A_26 : i32 to index
      %get3A_27 = tpu.vector_load %arg8[%get3A] {strides = array<i32>} : memref<512xi32, #tpu.memory_space<vmem>>, vector<16xi32>,
      %get3A_28 = vector.shape_cast %get3A_27 : vector<16xi32> to vector<16xi32>
      %shift_right_arithmetic3A = arith.constant 14 : i32
      %shift_right_arithmetic3A_29 = vector.broadcast %shift_right_arithmetic3A : i32 to vector<16xi32>
      %shift_right_arithmetic3A_30 = arith.shrsi %get3A_28, %shift_right_arithmetic3A_29 : vector<16xi32>
      %shift_left3A = arith.constant 13 : i32
      %shift_left3A_31 = vector.broadcast %shift_left3A : i32 to vector<16xi32>
      %shift_left3A_32 = arith.shli %shift_right_arithmetic3A_30, %shift_left3A_31 : vector<16xi32>
      %and3A = arith.constant 8191 : i32
      %and3A_33 = vector.broadcast %and3A : i32 to vector<16xi32>
      %and3A_34 = arith.andi %get3A_28, %and3A_33 : vector<16xi32>
      %add3A_35 = arith.addi %shift_left3A_32, %and3A_34 : vector<16xi32>
      %ge3A = arith.constant 999424 : i32
      %ge3A_36 = vector.broadcast %ge3A : i32 to vector<16xi32>
      %ge3A_37 = arith.cmpi sge, %get3A_28, %ge3A_36 : vector<16xi32>
      %sub3A = arith.constant 999424 : i32
      %sub3A_38 = vector.broadcast %sub3A : i32 to vector<16xi32>
      %sub3A_39 = arith.subi %get3A_28, %sub3A_38 : vector<16xi32>
      %add3A_40 = arith.constant 499712 : i32
      %add3A_41 = vector.broadcast %add3A_40 : i32 to vector<16xi32>
      %add3A_42 = arith.addi %sub3A_39, %add3A_41 : vector<16xi32>
      %select_n3A = arith.select %ge3A_37, %add3A_42, %add3A_35 : vector<16xi1>, vector<16xi32>
      %mul3A_43 = arith.constant 16 : i32
      %mul3A_44 = arith.muli %scan3A_24, %mul3A_43 : i32
      %swap3A = arith.index_cast %mul3A_44 : i32 to index
      %swap3A_45 = tpu.vector_load %arg9[%swap3A] {strides = array<i32>} : memref<512xi32, #tpu.memory_space<vmem>>, vector<16xi32>,
      %swap3A_46 = vector.shape_cast %swap3A_45 : vector<16xi32> to vector<16xi32>
      %swap3A_47 = vector.shape_cast %select_n3A : vector<16xi32> to vector<16xi32>
      tpu.vector_store %arg9[%swap3A], %swap3A_47 {strides = array<i32>} : memref<512xi32, #tpu.memory_space<vmem>>, vector<16xi32>,
    }
    %scan3A_17 = arith.constant 32 : i32
    %dma_start3A_18 = arith.constant 0 : i32
    %dma_start3A_19 = arith.constant 0 : i32
    %dma_start3A_20 = tpu.memref_slice %arg3[%dma_start3A_18, %dma_start3A_19] : memref<507904x128xf32, #tpu.memory_space<hbm>> -> memref<507904x128xf32, #tpu.memory_space<hbm>>
    tpu.enqueue_indirect_dma source(%dma_start3A_20 : memref<507904x128xf32, #tpu.memory_space<hbm>>) target(%arg10 : memref<512x128xf32, #tpu.memory_space<vmem>>) offsets(%arg9 : memref<512xi32, #tpu.memory_space<vmem>>) semaphore(%arg11 : memref<!tpu.dma_semaphore, #tpu.memory_space<semaphore_mem>>)
    %dma_wait3A_21 = arith.constant 0 : i32
    %dma_wait3A_22 = arith.constant 0 : i32
    %dma_wait3A_23 = tpu.memref_slice %arg3[%dma_wait3A_21, %dma_wait3A_22] : memref<507904x128xf32, #tpu.memory_space<hbm>> -> memref<507904x128xf32, #tpu.memory_space<hbm>>
    tpu.wait_indirect_dma semaphore(%arg11 : memref<!tpu.dma_semaphore, #tpu.memory_space<semaphore_mem>>) src(%dma_wait3A_23 : memref<507904x128xf32, #tpu.memory_space<hbm>>) dst(%arg10 : memref<512x128xf32, #tpu.memory_space<vmem>>)
    "tpu.region"() ({
      %run_scoped3A = tpu.sem_alloc : memref<!tpu.dma_semaphore, #tpu.memory_space<semaphore_mem>>
      %dma_start3A_24 = arith.constant 0 : i32
      %dma_start3A_25 = tpu.memref_slice %arg7[%mul3A_2, %dma_start3A_24] : memref<16384x128xf32, #tpu.memory_space<hbm>> -> memref<512x128xf32, #tpu.memory_space<hbm>>
      %dma_start3A_26 = arith.constant 0 : i32
      %dma_start3A_27 = tpu.memref_slice %arg7[%mul3A_2, %dma_start3A_26] : memref<16384x128xf32, #tpu.memory_space<hbm>> -> memref<512x128xf32, #tpu.memory_space<hbm>>
      tpu.enqueue_dma source(%arg10 : memref<512x128xf32, #tpu.memory_space<vmem>>) target(%dma_start3A_27 : memref<512x128xf32, #tpu.memory_space<hbm>>) target_semaphore(%run_scoped3A : memref<!tpu.dma_semaphore, #tpu.memory_space<semaphore_mem>>)
      %dma_wait3A_28 = arith.constant 0 : i32
      %dma_wait3A_29 = tpu.memref_slice %arg7[%mul3A_2, %dma_wait3A_28] : memref<16384x128xf32, #tpu.memory_space<hbm>> -> memref<512x128xf32, #tpu.memory_space<hbm>>
      %dma_wait3A_30 = arith.constant 0 : i32
      %dma_wait3A_31 = tpu.memref_slice %arg7[%mul3A_2, %dma_wait3A_30] : memref<16384x128xf32, #tpu.memory_space<hbm>> -> memref<512x128xf32, #tpu.memory_space<hbm>>
      tpu.wait_dma2 semaphore(%run_scoped3A : memref<!tpu.dma_semaphore, #tpu.memory_space<semaphore_mem>>) src(%arg10 : memref<512x128xf32, #tpu.memory_space<vmem>>) dst(%dma_wait3A_31 : memref<512x128xf32, #tpu.memory_space<hbm>>)
      tpu.yield
    }) : () -> ()
    return
  }
}

module attributes {stable_mosaic.version = 14 : i64} {
  func.func @_repack_body(%arg0: i32, %arg1: memref<64x8192xf32, #tpu.memory_space<vmem>>, %arg2: memref<64x8192xf32, #tpu.memory_space<vmem>>, %arg3: memref<8192x128xf32, #tpu.memory_space<vmem>>, %arg4: memref<8192x128xf32, #tpu.memory_space<vmem>>) attributes {dimension_semantics = [#tpu.dimension_semantics<arbitrary>], iteration_bounds = array<i64: 62>, scalar_prefetch = 0 : i64, scratch_operands = 0 : i64, tpu.core_type = #tpu.core_type<tc>, window_params = [{transform_indices = @transform_0, window_bounds = array<i64: 64, 8192>}, {transform_indices = @transform_1, window_bounds = array<i64: 64, 8192>}, {pipeline_mode = #tpu.pipeline_mode<synchronous>, transform_indices = @transform_2, window_bounds = array<i64: 8192, 128>}, {transform_indices = @transform_3, window_bounds = array<i64: 8192, 128>}]} {
    %lt3A = arith.constant 61 : i32
    %lt3A_0 = arith.cmpi slt, %arg0, %lt3A : i32
    %convert_element_type3A = arith.extui %lt3A_0 : i1 to i32
    %cond3A = arith.constant 0 : i32
    %cond3A_1 = arith.cmpi ne, %convert_element_type3A, %cond3A : i32
    scf.if %cond3A_1 {
      %iota3A = tpu.iota {dimensions = array<i32: 0>} : vector<64x64xi32>
      %iota3A_6 = tpu.iota {dimensions = array<i32: 1>} : vector<64x64xi32>
      %add3A = arith.constant 0 : i32
      %add3A_7 = vector.broadcast %add3A : i32 to vector<64x64xi32>
      %add3A_8 = arith.addi %iota3A, %add3A_7 : vector<64x64xi32>
      %eq3A_9 = arith.cmpi eq, %add3A_8, %iota3A_6 : vector<64x64xi32>
      %convert_element_type3A_10 = arith.extui %eq3A_9 : vector<64x64xi1> to vector<64x64xi32>
      %convert_element_type3A_11 = arith.sitofp %convert_element_type3A_10 : vector<64x64xi32> to vector<64x64xf32>
      %get3A = arith.constant 0 : index
      %get3A_12 = arith.constant 0 : index
      %get3A_13 = vector.load %arg1[%get3A, %get3A_12] : memref<64x8192xf32, #tpu.memory_space<vmem>>, vector<64x8192xf32>
      %dot_general3A = arith.constant dense<0.000000e+00> : vector<8192x64xf32>
      %dot_general3A_14 = tpu.matmul %get3A_13, %convert_element_type3A_11, %dot_general3A {dimension_numbers = #tpu.dot_dimension_numbers<[0], [0], [1], [1], [0, 1, 1, 1], [], []>, transpose_lhs_hint = false} : vector<64x8192xf32>, vector<64x64xf32>, vector<8192x64xf32> -> vector<8192x64xf32>
      %get3A_15 = arith.constant 0 : index
      %get3A_16 = arith.constant 0 : index
      %get3A_17 = vector.load %arg2[%get3A_15, %get3A_16] : memref<64x8192xf32, #tpu.memory_space<vmem>>, vector<64x8192xf32>
      %dot_general3A_18 = arith.constant dense<0.000000e+00> : vector<8192x64xf32>
      %dot_general3A_19 = tpu.matmul %get3A_17, %convert_element_type3A_11, %dot_general3A_18 {dimension_numbers = #tpu.dot_dimension_numbers<[0], [0], [1], [1], [0, 1, 1, 1], [], []>, transpose_lhs_hint = false} : vector<64x8192xf32>, vector<64x64xf32>, vector<8192x64xf32> -> vector<8192x64xf32>
      %concatenate3A = tpu.concatenate %dot_general3A_14, %dot_general3A_19 in 1 : vector<8192x64xf32>, vector<8192x64xf32> -> vector<8192x128xf32>
      %swap3A = arith.constant 0 : index
      %swap3A_20 = arith.constant 0 : index
      %swap3A_21 = vector.load %arg4[%swap3A, %swap3A_20] : memref<8192x128xf32, #tpu.memory_space<vmem>>, vector<8192x128xf32>
      tpu.vector_store %arg4[%swap3A, %swap3A_20], %concatenate3A {strides = array<i32>} : memref<8192x128xf32, #tpu.memory_space<vmem>>, vector<8192x128xf32>,
    } else {
    }
    %eq3A = arith.constant 61 : i32
    %eq3A_2 = arith.cmpi eq, %arg0, %eq3A : i32
    %convert_element_type3A_3 = arith.extui %eq3A_2 : i1 to i32
    %cond3A_4 = arith.constant 0 : i32
    %cond3A_5 = arith.cmpi ne, %convert_element_type3A_3, %cond3A_4 : i32
    scf.if %cond3A_5 {
      %get3A = arith.constant 0 : index
      %get3A_6 = arith.constant 0 : index
      %get3A_7 = vector.load %arg3[%get3A, %get3A_6] : memref<8192x128xf32, #tpu.memory_space<vmem>>, vector<8192x128xf32>
      %swap3A = arith.constant 0 : index
      %swap3A_8 = arith.constant 0 : index
      %swap3A_9 = vector.load %arg4[%swap3A, %swap3A_8] : memref<8192x128xf32, #tpu.memory_space<vmem>>, vector<8192x128xf32>
      tpu.vector_store %arg4[%swap3A, %swap3A_8], %get3A_7 {strides = array<i32>} : memref<8192x128xf32, #tpu.memory_space<vmem>>, vector<8192x128xf32>,
    } else {
    }
    return
  }
  func.func @transform_0(%arg0: i32) -> (i32, i32) {
    %mul3A = arith.constant 2 : i32
    %mul3A_0 = arith.muli %mul3A, %arg0 : i32
    %min3A = arith.constant 121 : i32
    %min3A_1 = arith.minsi %mul3A_0, %min3A : i32
    %c0_i32 = arith.constant 0 : i32
    %c0_i32_2 = arith.constant 0 : i32
    return %c0_i32, %min3A_1 : i32, i32
  }
  func.func @transform_1(%arg0: i32) -> (i32, i32) {
    %mul3A = arith.constant 2 : i32
    %mul3A_0 = arith.muli %mul3A, %arg0 : i32
    %add3A = arith.constant 1 : i32
    %add3A_1 = arith.addi %mul3A_0, %add3A : i32
    %min3A = arith.constant 121 : i32
    %min3A_2 = arith.minsi %add3A_1, %min3A : i32
    %c0_i32 = arith.constant 0 : i32
    %c0_i32_3 = arith.constant 0 : i32
    return %c0_i32, %min3A_2 : i32, i32
  }
  func.func @transform_2(%arg0: i32) -> (i32, i32) {
    %c0_i32 = arith.constant 0 : i32
    %c0_i32_0 = arith.constant 0 : i32
    %c0_i32_1 = arith.constant 0 : i32
    return %c0_i32, %c0_i32_0 : i32, i32
  }
  func.func @transform_3(%arg0: i32) -> (i32, i32) {
    %c0_i32 = arith.constant 0 : i32
    %c0_i32_0 = arith.constant 0 : i32
    return %arg0, %c0_i32 : i32, i32
  }
}

module attributes {stable_mosaic.version = 14 : i64} {
  func.func @_mlp_body(%arg0: i32, %arg1: memref<2048x128xf32, #tpu.memory_space<vmem>>, %arg2: memref<2048x128xf32, #tpu.memory_space<vmem>>, %arg3: memref<2048x1xf32, #tpu.memory_space<vmem>>, %arg4: memref<2048x1xf32, #tpu.memory_space<vmem>>, %arg5: memref<64x64xf32, #tpu.memory_space<vmem>>, %arg6: memref<64x64xf32, #tpu.memory_space<vmem>>, %arg7: memref<1x64xf32, #tpu.memory_space<vmem>>, %arg8: memref<64x32xf32, #tpu.memory_space<vmem>>, %arg9: memref<1x32xf32, #tpu.memory_space<vmem>>, %arg10: memref<32x16xf32, #tpu.memory_space<vmem>>, %arg11: memref<1x16xf32, #tpu.memory_space<vmem>>, %arg12: memref<2048x16xf32, #tpu.memory_space<vmem>>) attributes {dimension_semantics = [#tpu.dimension_semantics<arbitrary>], iteration_bounds = array<i64: 8>, scalar_prefetch = 0 : i64, scratch_operands = 0 : i64, tpu.core_type = #tpu.core_type<tc>, window_params = [{transform_indices = @transform_0, window_bounds = array<i64: 2048, 128>}, {transform_indices = @transform_1, window_bounds = array<i64: 2048, 128>}, {transform_indices = @transform_2, window_bounds = array<i64: 2048, 1>}, {transform_indices = @transform_3, window_bounds = array<i64: 2048, 1>}, {pipeline_mode = #tpu.pipeline_mode<synchronous>, transform_indices = @transform_4, window_bounds = array<i64: 64, 64>}, {pipeline_mode = #tpu.pipeline_mode<synchronous>, transform_indices = @transform_5, window_bounds = array<i64: 64, 64>}, {pipeline_mode = #tpu.pipeline_mode<synchronous>, transform_indices = @transform_6, window_bounds = array<i64: 1, 64>}, {pipeline_mode = #tpu.pipeline_mode<synchronous>, transform_indices = @transform_7, window_bounds = array<i64: 64, 32>}, {pipeline_mode = #tpu.pipeline_mode<synchronous>, transform_indices = @transform_8, window_bounds = array<i64: 1, 32>}, {pipeline_mode = #tpu.pipeline_mode<synchronous>, transform_indices = @transform_9, window_bounds = array<i64: 32, 16>}, {pipeline_mode = #tpu.pipeline_mode<synchronous>, transform_indices = @transform_10, window_bounds = array<i64: 1, 16>}, {transform_indices = @transform_11, window_bounds = array<i64: 2048, 16>}]} {
    %get3A = arith.constant 0 : index
    %get3A_0 = arith.constant 0 : index
    %get3A_1 = vector.load %arg1[%get3A, %get3A_0] : memref<2048x128xf32, #tpu.memory_space<vmem>>, vector<2048x128xf32>
    %get3A_2 = arith.constant 0 : index
    %get3A_3 = arith.constant 0 : index
    %get3A_4 = vector.load %arg2[%get3A_2, %get3A_3] : memref<2048x128xf32, #tpu.memory_space<vmem>>, vector<2048x128xf32>
    %get3A_5 = arith.constant 0 : index
    %get3A_6 = arith.constant 0 : index
    %get3A_7 = vector.load %arg3[%get3A_5, %get3A_6] : memref<2048x1xf32, #tpu.memory_space<vmem>>, vector<2048x1xf32>
    %gt3A = arith.constant 5.000000e-01 : f32
    %gt3A_8 = vector.broadcast %gt3A : f32 to vector<2048x1xf32>
    %gt3A_9 = arith.cmpf ogt, %get3A_7, %gt3A_8 : vector<2048x1xf32>
    %slice3A = vector.extract_strided_slice %get3A_1 {offsets = [0, 64], sizes = [2048, 64], strides = [1, 1]} : vector<2048x128xf32> to vector<2048x64xf32>
    %slice3A_10 = vector.extract_strided_slice %get3A_1 {offsets = [0, 0], sizes = [2048, 64], strides = [1, 1]} : vector<2048x128xf32> to vector<2048x64xf32>
    %broadcast_in_dim3A = vector.shape_cast %gt3A_9 : vector<2048x1xi1> to vector<2048x1xi1>
    %broadcast_in_dim3A_11 = vector.broadcast %broadcast_in_dim3A : vector<2048x1xi1> to vector<2048x64xi1>
    %select_n3A = arith.select %broadcast_in_dim3A_11, %slice3A, %slice3A_10 : vector<2048x64xi1>, vector<2048x64xf32>
    %get3A_12 = arith.constant 0 : index
    %get3A_13 = arith.constant 0 : index
    %get3A_14 = vector.load %arg4[%get3A_12, %get3A_13] : memref<2048x1xf32, #tpu.memory_space<vmem>>, vector<2048x1xf32>
    %gt3A_15 = arith.constant 5.000000e-01 : f32
    %gt3A_16 = vector.broadcast %gt3A_15 : f32 to vector<2048x1xf32>
    %gt3A_17 = arith.cmpf ogt, %get3A_14, %gt3A_16 : vector<2048x1xf32>
    %slice3A_18 = vector.extract_strided_slice %get3A_4 {offsets = [0, 64], sizes = [2048, 64], strides = [1, 1]} : vector<2048x128xf32> to vector<2048x64xf32>
    %slice3A_19 = vector.extract_strided_slice %get3A_4 {offsets = [0, 0], sizes = [2048, 64], strides = [1, 1]} : vector<2048x128xf32> to vector<2048x64xf32>
    %broadcast_in_dim3A_20 = vector.shape_cast %gt3A_17 : vector<2048x1xi1> to vector<2048x1xi1>
    %broadcast_in_dim3A_21 = vector.broadcast %broadcast_in_dim3A_20 : vector<2048x1xi1> to vector<2048x64xi1>
    %select_n3A_22 = arith.select %broadcast_in_dim3A_21, %slice3A_18, %slice3A_19 : vector<2048x64xi1>, vector<2048x64xf32>
    %get3A_23 = arith.constant 0 : index
    %get3A_24 = arith.constant 0 : index
    %get3A_25 = vector.load %arg5[%get3A_23, %get3A_24] : memref<64x64xf32, #tpu.memory_space<vmem>>, vector<64x64xf32>
    %dot_general3A = arith.constant dense<0.000000e+00> : vector<2048x64xf32>
    %dot_general3A_26 = tpu.matmul %select_n3A, %get3A_25, %dot_general3A {dimension_numbers = #tpu.dot_dimension_numbers<[1], [0], [0], [1], [0, 0, 1, 1], [], []>, transpose_lhs_hint = false} : vector<2048x64xf32>, vector<64x64xf32>, vector<2048x64xf32> -> vector<2048x64xf32>
    %get3A_27 = arith.constant 0 : index
    %get3A_28 = arith.constant 0 : index
    %get3A_29 = vector.load %arg6[%get3A_27, %get3A_28] : memref<64x64xf32, #tpu.memory_space<vmem>>, vector<64x64xf32>
    %dot_general3A_30 = arith.constant dense<0.000000e+00> : vector<2048x64xf32>
    %dot_general3A_31 = tpu.matmul %select_n3A_22, %get3A_29, %dot_general3A_30 {dimension_numbers = #tpu.dot_dimension_numbers<[1], [0], [0], [1], [0, 0, 1, 1], [], []>, transpose_lhs_hint = false} : vector<2048x64xf32>, vector<64x64xf32>, vector<2048x64xf32> -> vector<2048x64xf32>
    %add3A = arith.addf %dot_general3A_26, %dot_general3A_31 : vector<2048x64xf32>
    %get3A_32 = arith.constant 0 : index
    %get3A_33 = arith.constant 0 : index
    %get3A_34 = vector.load %arg7[%get3A_32, %get3A_33] : memref<1x64xf32, #tpu.memory_space<vmem>>, vector<1x64xf32>
    %add3A_35 = vector.broadcast %get3A_34 : vector<1x64xf32> to vector<2048x64xf32>
    %add3A_36 = arith.addf %add3A, %add3A_35 : vector<2048x64xf32>
    %max3A = arith.constant 0.000000e+00 : f32
    %max3A_37 = vector.broadcast %max3A : f32 to vector<2048x64xf32>
    %max3A_38 = arith.maximumf %add3A_36, %max3A_37 : vector<2048x64xf32>
    %get3A_39 = arith.constant 0 : index
    %get3A_40 = arith.constant 0 : index
    %get3A_41 = vector.load %arg8[%get3A_39, %get3A_40] : memref<64x32xf32, #tpu.memory_space<vmem>>, vector<64x32xf32>
    %dot_general3A_42 = arith.constant dense<0.000000e+00> : vector<2048x32xf32>
    %dot_general3A_43 = tpu.matmul %max3A_38, %get3A_41, %dot_general3A_42 {dimension_numbers = #tpu.dot_dimension_numbers<[1], [0], [0], [1], [0, 0, 1, 1], [], []>, transpose_lhs_hint = false} : vector<2048x64xf32>, vector<64x32xf32>, vector<2048x32xf32> -> vector<2048x32xf32>
    %get3A_44 = arith.constant 0 : index
    %get3A_45 = arith.constant 0 : index
    %get3A_46 = vector.load %arg9[%get3A_44, %get3A_45] : memref<1x32xf32, #tpu.memory_space<vmem>>, vector<1x32xf32>
    %add3A_47 = vector.broadcast %get3A_46 : vector<1x32xf32> to vector<2048x32xf32>
    %add3A_48 = arith.addf %dot_general3A_43, %add3A_47 : vector<2048x32xf32>
    %max3A_49 = arith.constant 0.000000e+00 : f32
    %max3A_50 = vector.broadcast %max3A_49 : f32 to vector<2048x32xf32>
    %max3A_51 = arith.maximumf %add3A_48, %max3A_50 : vector<2048x32xf32>
    %get3A_52 = arith.constant 0 : index
    %get3A_53 = arith.constant 0 : index
    %get3A_54 = vector.load %arg10[%get3A_52, %get3A_53] : memref<32x16xf32, #tpu.memory_space<vmem>>, vector<32x16xf32>
    %dot_general3A_55 = arith.constant dense<0.000000e+00> : vector<2048x16xf32>
    %dot_general3A_56 = tpu.matmul %max3A_51, %get3A_54, %dot_general3A_55 {dimension_numbers = #tpu.dot_dimension_numbers<[1], [0], [0], [1], [0, 0, 1, 1], [], []>, transpose_lhs_hint = false} : vector<2048x32xf32>, vector<32x16xf32>, vector<2048x16xf32> -> vector<2048x16xf32>
    %get3A_57 = arith.constant 0 : index
    %get3A_58 = arith.constant 0 : index
    %get3A_59 = vector.load %arg11[%get3A_57, %get3A_58] : memref<1x16xf32, #tpu.memory_space<vmem>>, vector<1x16xf32>
    %add3A_60 = vector.broadcast %get3A_59 : vector<1x16xf32> to vector<2048x16xf32>
    %add3A_61 = arith.addf %dot_general3A_56, %add3A_60 : vector<2048x16xf32>
    %swap3A = arith.constant 0 : index
    %swap3A_62 = arith.constant 0 : index
    %swap3A_63 = vector.load %arg12[%swap3A, %swap3A_62] : memref<2048x16xf32, #tpu.memory_space<vmem>>, vector<2048x16xf32>
    tpu.vector_store %arg12[%swap3A, %swap3A_62], %add3A_61 {strides = array<i32>} : memref<2048x16xf32, #tpu.memory_space<vmem>>, vector<2048x16xf32>,
    return
  }
  func.func @transform_0(%arg0: i32) -> (i32, i32) {
    %c0_i32 = arith.constant 0 : i32
    %c0_i32_0 = arith.constant 0 : i32
    return %arg0, %c0_i32 : i32, i32
  }
  func.func @transform_1(%arg0: i32) -> (i32, i32) {
    %c0_i32 = arith.constant 0 : i32
    %c0_i32_0 = arith.constant 0 : i32
    return %arg0, %c0_i32 : i32, i32
  }
  func.func @transform_2(%arg0: i32) -> (i32, i32) {
    %c0_i32 = arith.constant 0 : i32
    %c0_i32_0 = arith.constant 0 : i32
    return %arg0, %c0_i32 : i32, i32
  }
  func.func @transform_3(%arg0: i32) -> (i32, i32) {
    %c0_i32 = arith.constant 0 : i32
    %c0_i32_0 = arith.constant 0 : i32
    return %arg0, %c0_i32 : i32, i32
  }
  func.func @transform_4(%arg0: i32) -> (i32, i32) {
    %c0_i32 = arith.constant 0 : i32
    %c0_i32_0 = arith.constant 0 : i32
    %c0_i32_1 = arith.constant 0 : i32
    return %c0_i32, %c0_i32_0 : i32, i32
  }
  func.func @transform_5(%arg0: i32) -> (i32, i32) {
    %c0_i32 = arith.constant 0 : i32
    %c0_i32_0 = arith.constant 0 : i32
    %c0_i32_1 = arith.constant 0 : i32
    return %c0_i32, %c0_i32_0 : i32, i32
  }
  func.func @transform_6(%arg0: i32) -> (i32, i32) {
    %c0_i32 = arith.constant 0 : i32
    %c0_i32_0 = arith.constant 0 : i32
    %c0_i32_1 = arith.constant 0 : i32
    return %c0_i32, %c0_i32_0 : i32, i32
  }
  func.func @transform_7(%arg0: i32) -> (i32, i32) {
    %c0_i32 = arith.constant 0 : i32
    %c0_i32_0 = arith.constant 0 : i32
    %c0_i32_1 = arith.constant 0 : i32
    return %c0_i32, %c0_i32_0 : i32, i32
  }
  func.func @transform_8(%arg0: i32) -> (i32, i32) {
    %c0_i32 = arith.constant 0 : i32
    %c0_i32_0 = arith.constant 0 : i32
    %c0_i32_1 = arith.constant 0 : i32
    return %c0_i32, %c0_i32_0 : i32, i32
  }
  func.func @transform_9(%arg0: i32) -> (i32, i32) {
    %c0_i32 = arith.constant 0 : i32
    %c0_i32_0 = arith.constant 0 : i32
    %c0_i32_1 = arith.constant 0 : i32
    return %c0_i32, %c0_i32_0 : i32, i32
  }
  func.func @transform_10(%arg0: i32) -> (i32, i32) {
    %c0_i32 = arith.constant 0 : i32
    %c0_i32_0 = arith.constant 0 : i32
    %c0_i32_1 = arith.constant 0 : i32
    return %c0_i32, %c0_i32_0 : i32, i32
  }
  func.func @transform_11(%arg0: i32) -> (i32, i32) {
    %c0_i32 = arith.constant 0 : i32
    %c0_i32_0 = arith.constant 0 : i32
    return %arg0, %c0_i32 : i32, i32
  }
}

</mosaic_0001>

<sc_bundles>
// kernel: kernel.6.cloned.1.call-start
scs
__scs_entry_jumppad:
0x0: {  	(pc) =	sbr.rel $0x88, $3  }
0x1: {  	(tag) =	ssettag $0x0;
	lr =	simm.s32 $0x1  }
0x2: {  	[smem:$0x3F97] =	sst lr;
	_ =	strace $0xD0000000  }
0x3: {  	_ = 	snop  }
0x4: {  	_ = 	snop  }
0x5: {  	_ = 	snop  }
0x6: {  	_ = 	snop  }
0x7: {  	_ = 	snop  }
__scs_overlays_trampoline_lowered:
0x8: {  	[smem:$0x3FA6] =	sst s0  }
0x9: {  	[smem:$0x3FA7] =	sst s1  }
0xa: {  	[smem:$0x3FA8] =	sst s2  }
0xb: {  	[smem:$0x3FA9] =	sst s3  }
0xc: {  	[smem:$0x3FAA] =	sst s4  }
0xd: {  	[smem:$0x3FAB] =	sst s5  }
0xe: {  	[smem:$0x3FAC] =	sst s6  }
0xf: {  	[smem:$0x3FAD] =	sst s7  }
0x10: {  	[smem:$0x3FAE] =	sst s8  }
0x11: {  	[smem:$0x3FAF] =	sst s9;
	s0 =	simm.s32 @!p0 $0x0  }
0x12: {  	s1 =	sld [smem:$0x3F95];
	s0 =	simm.s32 @p0 $0x1  }
0x13: {  	[smem:$0x3FB0] =	sst s0;
	s0 =	simm.s32 @!p1 $0x0  }
0x14: {  	s2 =	sld [smem:$0x3F94];
	s0 =	simm.s32 @p1 $0x1  }
0x15: {  	[smem:$0x3FB1] =	sst s0;
	s0 =	simm.s32 @!p2 $0x0  }
0x16: {  	s3 =	sld [smem:$0x3FDB];
	s0 =	simm.s32 @p2 $0x1  }
0x17: {  	s4 =	simm.s32 $0x1BF5;
	[smem:$0x3FB3] =	sst s0  }
0x18: {  	s0 =	sld [smem:$0x3F96];
	_ =	swait.ge [sflag:s4], $0x0  }
0x19: {  	s7 =	sld [smem:$0x3F97]  }
0x1a: {  	s8 =	sadd.s32 $0xFFFFE003, lr  }
0x1b: {  	s9 =	sadd.s32 $0xFFFFFEF7, lr;
	s5 =	simm.s32 $0xFFFFFFFF;
	p2 =	slt.u32 s8, $0xFFFFF086  }
0x1c: {  	p1 =	slt.u32 s9, $0xF7A;
	s5 =	simm.s32 @!p2 $0x0  }
0x1d: {  	s5 =	simm.s32 @p1 $0x1;
	p0 =	seq.s32 s7, s2  }
0x1e: {  	s7 =	smul.u32 @!p0 $0xF7A, s2;
	p2 =	seq.s32 @!p0 s5, $0x0  }
0x1f: {  	s9 =	smul.u32 $0xF7A, s1;
	s8 =	simm.s32 @!p0 $0x1BF5;
	p2 =	por !p2, p0  }
0x20: {  	[sflag:s8] =	ssyncset.s32 @!p0 $0xFFFFF086;
	s6 =	sadd.s32 @!p0 s3, s7;
	s7 =	simm.s32 @!p0 $0x108  }
0x21: {  	s3 =	sadd.s32 s3, s9;
	s6 =	sadd.s32 @!p0 $0x88, s6;
	s7 =	simm.s32 @p2 $0x1082  }
0x22: {  	[simem:s7], [sflag:s8] =	dma.local @!p0 [hbm:s6], $0xF7A  }
0x23: {  	s9 =	sor.u32 $0xD0000000, s2;
	s6 =	simm.s32 $0x108;
	_ =	swait.ge @!p0 [sflag:s8], $0x0  }
0x24: {  	s3 =	sadd.s32 $0x88, s3;
	s6 =	simm.s32 @!p1 $0x1082;
	[sflag:s4] =	ssyncset.s32 $0xFFFFF086  }
0x25: {  	[simem:s6], [sflag:s4] =	dma.local [hbm:s3], $0xF7A  }
0x26: {  	[smem:$0x3F97] =	sst s1;
	(tag) =	ssettag s2;
	_ =	strace s9  }
0x27: {  	s1 =	sld [smem:$0x3FA7]  }
0x28: {  	s2 =	sld [smem:$0x3FA8]  }
0x29: {  	s4 =	sld [smem:$0x3FAA]  }
0x2a: {  	p0 =	seq.s32 s5, $0x0;
	s5 =	sld [smem:$0x3FAB]  }
0x2b: {  	s6 =	sld [smem:$0x3FAC]  }
0x2c: {  	s7 =	sld [smem:$0x3FAD]  }
0x2d: {  	s3 =	simm.s32 $0x108;
	s8 =	sld [smem:$0x3FAE]  }
0x2e: {  	s3 =	simm.s32 @!p0 $0x1082;
	s9 =	sld [smem:$0x3FAF]  }
0x2f: {  	lr =	sadd.s32 s0, s3;
	s0 =	sld [smem:$0x3FA6]  }
0x30: {  	s3 =	sld [smem:$0x3FA9]  }
0x31: {  	[smem:$0x3FB2] =	sst s10  }
0x32: {  	s10 =	sld [smem:$0x3FB0];
	_ =	sdelay $0x3  }
0x33: {  	p0 =	seq.s32 s10, $0x1;
	s10 =	sld [smem:$0x3FB2];
	_ =	sdelay $0x3  }
0x34: {  	[smem:$0x3FB2] =	sst s10  }
0x35: {  	s10 =	sld [smem:$0x3FB1];
	_ =	sdelay $0x3  }
0x36: {  	p1 =	seq.s32 s10, $0x1;
	s10 =	sld [smem:$0x3FB2];
	_ =	sdelay $0x3  }
0x37: {  	[smem:$0x3FB2] =	sst s10  }
0x38: {  	s10 =	sld [smem:$0x3FB3]  }
0x39: {  	_ = 	snop;
	(pc) =	sbr.ind lr, $3  }
0x3a: {  	_ = 	snop  }
0x3b: {  	_ = 	snop  }
0x3c: {  	p2 =	seq.s32 s10, $0x1;
	s10 =	sld [smem:$0x3FB2]  }
0x3d: {  	_ =	shalt  }
0x3e: {  	_ =	shalt  }
0x3f: {  	_ =	shalt  }
0x40: {  	_ =	shalt  }
0x41: {  	_ =	shalt  }
0x42: {  	_ =	shalt  }
0x43: {  	_ =	shalt  }
0x44: {  	_ =	shalt  }
0x45: {  	_ =	shalt  }
0x46: {  	_ =	shalt  }
0x47: {  	_ =	shalt  }
0x48: {  	_ =	shalt  }
0x49: {  	_ =	shalt  }
0x4a: {  	_ =	shalt  }
0x4b: {  	_ =	shalt  }
0x4c: {  	_ =	shalt  }
0x4d: {  	_ =	shalt  }
0x4e: {  	_ =	shalt  }
0x4f: {  	_ =	shalt  }
0x50: {  	_ =	shalt  }
0x51: {  	_ =	shalt  }
0x52: {  	_ =	shalt  }
0x53: {  	_ =	shalt  }
0x54: {  	_ =	shalt  }
0x55: {  	_ =	shalt  }
0x56: {  	_ =	shalt  }
0x57: {  	_ =	shalt  }
0x58: {  	_ =	shalt  }
0x59: {  	_ =	shalt  }
0x5a: {  	_ =	shalt  }
0x5b: {  	_ =	shalt  }
0x5c: {  	_ =	shalt  }
0x5d: {  	_ =	shalt  }
0x5e: {  	_ =	shalt  }
0x5f: {  	_ =	shalt  }
0x60: {  	_ =	shalt  }
0x61: {  	_ =	shalt  }
0x62: {  	_ =	shalt  }
0x63: {  	_ =	shalt  }
0x64: {  	_ =	shalt  }
0x65: {  	_ =	shalt  }
0x66: {  	_ =	shalt  }
0x67: {  	_ =	shalt  }
0x68: {  	_ =	shalt  }
0x69: {  	_ =	shalt  }
0x6a: {  	_ =	shalt  }
0x6b: {  	_ =	shalt  }
0x6c: {  	_ =	shalt  }
0x6d: {  	_ =	shalt  }
0x6e: {  	_ =	shalt  }
0x6f: {  	_ =	shalt  }
0x70: {  	_ =	shalt  }
0x71: {  	_ =	shalt  }
0x72: {  	_ =	shalt  }
0x73: {  	_ =	shalt  }
0x74: {  	_ =	shalt  }
0x75: {  	_ =	shalt  }
0x76: {  	_ =	shalt  }
0x77: {  	_ =	shalt  }
0x78: {  	_ =	shalt  }
0x79: {  	_ =	shalt  }
0x7a: {  	_ =	shalt  }
0x7b: {  	_ =	shalt  }
0x7c: {  	_ =	shalt  }
0x7d: {  	_ =	shalt  }
0x7e: {  	_ =	shalt  }
0x7f: {  	_ =	shalt  }
0x80: {  	_ =	shalt  }
0x81: {  	_ =	shalt  }
0x82: {  	_ =	shalt  }
0x83: {  	_ =	shalt  }
0x84: {  	_ =	shalt  }
0x85: {  	_ =	shalt  }
0x86: {  	_ =	shalt  }
0x87: {  	_ =	shalt  }
.Lfunc_end0:
.L_simem_size_0:
called_computation_lowered:
.L_overlay_start_0:
0x88: {  	s2 =	sld [smem:$0x3FD9]  }
0x89: {  	s3 =	sld [smem:$0x3FFE];
	_ =	sdelay $0x1  }
0x8a: {  	s1 =	srdreg.scid  }
0x8b: {  	s0 =	sand.u32 $0x1, s1  }
0x8c: {  	s17 =	sshll.u32 s0, $0xA;
	s2 =	sadd.s32 s3, s2  }
0x8d: {  	s2 =	sadd.s32 s2, s17  }
0x8e: {  	[smem:$0x3FBE] =	sst s2  }
0x8f: {  	_ = 	snop  }
0x90: {  	s2 =	sld [smem:$0x3FC9]  }
0x91: {  	s18 =	sld [smem:$0x3FC8];
	(tm) =	ssettm $0x1  }
0x92: {  	s4 =	sld [smem:$0x3FFB];
	_ =	sdelay $0x3  }
0x93: {  	_ =	strace s4  }
0x94: {  	s4 =	sld [smem:$0x3FFC];
	_ =	sdelay $0x3  }
0x95: {  	_ =	strace s4  }
0x96: {  	s4 =	sld [smem:$0x3FFD];
	_ =	sdelay $0x3  }
0x97: {  	_ =	strace s4  }
0x98: {  	_ =	strace $0x8FFFFFFF  }
0x99: {  	s19 =	sld [smem:$0x3FDB];
	_ =	sdelay $0x1  }
0x9a: {  	s5 =	simm.s32 $_scs_section_size  }
0x9b: {  	s6 =	simm.s32 $_size__tile_overlayer_lowered;
	s7 =	simm.s32 $_tile_overlayer_lowered  }
0x9c: {  	s22 =	simm.s32 $0x1BFF;
	s21 =	sshll.u32 s7, $0x1;
	s4 =	sadd.s32 s5, s19  }
0x9d: {  	s8 =	simm.s32 $0x0;
	s20 =	sshll.u32 s6, $0x1;
	s6 =	sadd.s32 s21, s4  }
0x9e: {  	[timem:s8], [sflag:s22] =	dma.local [hbm:s6], s20  }
0x9f: {  	_ =	swait.ge [sflag:s22], s20  }
0xa0: {  	s5 =	ssub.s32 $0x0, s20;
	[sflag:s22] =	ssyncset.done $0x0  }
0xa1: {  	[sflag:s22] =	ssyncadd.s32 s5;
	_ =	sdelay $0x1  }
0xa2: {  	s23 =	simm.s32 $0x1B8B  }
0xa3: {  	_ =	swait.ge [sflag:s23], $0x1  }
0xa4: {  	[sflag:s23] =	ssyncset.done $0x0  }
0xa5: {  	s25 =	simm.s32 $0x1B8E;
	s24 =	sld [smem:$0x3FFE];
	[sflag:s23] =	ssyncadd.s32 $0xFFFFFFFF  }
0xa6: {  	s26 =	simm.s32 $execute0_lowered;
	[smem:$0x3FD2] =	sst s25  }
0xa7: {  	s6 =	sshll.u32 s26, $0x1;
	_ =	strace $0x80000046;
	[dreg:$0x1] =	wrdreg $0xFFFFFFFF  }
0xa8: {  	s28 =	simm.s32 $_size_execute0_lowered;
	s4 =	sadd.s32 s4, s6;
	[dreg:$0x0] =	wrdreg $0x0  }
0xa9: {  	s6 =	sshll.u32 s28, $0x1;
	[dreg:$0x2] =	wrdreg s4  }
0xaa: {  	[dreg:$0x3] =	wrdreg s6  }
0xab: {  	[dreg:$0x4] =	wrdreg $0xC0  }
0xac: {  	_ =	task [dreg:s8], $0x5FFFF  }
0xad: {  	[dreg:$0x1] =	wrdreg $0xFFFFFFFF  }
0xae: {  	[dreg:$0x0] =	wrdreg $0x60  }
0xaf: {  	[dreg:$0x2] =	wrdreg s24  }
0xb0: {  	[dreg:$0x3] =	wrdreg s2  }
0xb1: {  	[dreg:$0x4] =	wrdreg s18  }
0xb2: {  	[dreg:$0x5] =	wrdreg $0x9  }
0xb3: {  	_ =	task.clear_ibuf [dreg:s8], $0x6FFFF;
	_ =	strace $0x90000046  }
0xb4: {  	s29 =	simm.s32 $0x9;
	_ =	strace $0x80000048  }
0xb5: {  	_ =	swait.ge [sflag:s29], $0x1  }
0xb6: {  	[sflag:s29] =	ssyncadd.s32 $0xFFFFFFFF  }
0xb7: {  	_ =	strace $0x90000048  }
0xb8: {  	_ =	sfence  }
0xb9: {  	s30 =	sld [smem:$0x0];
	_ =	sdelay $0x2  }
0xba: {  	s31 =	sshll.u32 s1, $0xD;
	s1 =	sshrl.u32 s1, $0x2  }
0xbb: {  	s3 =	sand.u32 $0x4000, s31;
	s1 =	sadd.s32 s1, s30  }
0xbc: {  	s0 =	sor.u32 s3, s0;
	s1 =	sshll.u32 s1, $0x11  }
0xbd: {  	s0 =	sor.u32 s1, s0  }
0xbe: {  	s0 =	sadd.s32 $0x8F2B, s0  }
0xbf: {  	[sflag:s0] =	ssyncadd.remote.s32 $0x1  }
0xc0: {  	_ =	sfence.sel $0xFFFF  }
0xc1: {  	[dreg:$0x0] =	wrdreg $0xFFFFFFFF;
	(pc) =	sbr.abs _section_cstart, $3  }
0xc2: {  	[dreg:$0x1] =	wrdreg $0xFFFFFFFF  }
0xc3: {  	_ =	task.clear_ibuf [dreg:s8], $0x2FFFF;
	_ =	strace $0x9FFFFFFF  }
0xc4: {  	(tm) =	ssettm $0x7FFFFFFF  }
0xc5: {  	_ =	shalt  }
tec
execute0_lowered:
.L_overlay_start_1:
0x0: {  	(tag) =	ssettag $0x1  }
0x1: {  	s5 =	rddreg [dreg:$0x0]  }
0x2: {  	s6 =	rddreg [dreg:$0x1]  }
0x3: {  	s7 =	rddreg [dreg:$0x2]  }
0x4: {  	s0 =	rddreg [dreg:$0x3]  }
0x5: {  	s2 =	simm.s32 $0x0;
	s3 =	srdreg.scid;
	s1 =	stileid.u32  }
0x6: {  	s12 =	simm.s32 $0x400;
	s13 =	simm.s32 $0x1;
	s14 =	simm.s32 $0x0  }
0x7: {  	[smem:$0x7FF] =	sst s2;
	s8 =	sand.u32 $0x1, s3;
	s3 =	sadd.s32 $0x7E1E00, s5  }
0x8: {  	s9 =	sshll.u32 s1, $0xA;
	s4 =	sadd.s32 $0x21E00, s5;
	s10 =	sshll.u32 s8, $0x9  }
0x9: {  	_ =	strace $0x80000047;
	s8 =	ssub.s32 $0x2, s8;
	s9 =	sor.u32 s10, s9  }
0xa: {  	s11 =	sshrl.u32 s8, $0x1;
	s10 =	sshll.u32 s9, $0x4;
	s9 =	sshrl.u32 s9, $0x3  }
0xb: {  	s11 =	ssub.s32 s8, s11;
	s10 =	sadd.s32 s10, s5;
	s5 =	sadd.s32 s6, s9  }
0xc: {  	s7 =	sadd.s32 s7, s9;
	s9 =	smax.u32 s11, $0x1;
	s11 =	simm.s32 $0x200  }
0xd: {  	s6 =	sadd.s32 $0xFA1E00, s10;
	s8 =	sadd.s32 $0xFE1E00, s10;
	s10 =	simm.s32 $0x2  }
.LBB2_1:
0xe: {  	[tilespmem:s2], [sflag:$0x2] =	stream.linear.gather [hbm4b:s5+s2], $0x200, $0x38;
	[tilespmem:$0x10400] =	vst v63  }
0xf: {  	_ =	swait.ge [sflag:s10], $0x200  }
0x10: {  	[sflag:s10] =	ssyncset.done $0x0  }
0x11: {  	s15 =	simm.s32 $0x0;
	[sflag:s10] =	ssyncadd.s32 $0xFFFFFE00  }
0x12: {  	v0 =	vld [tilespmem:s15+$0x0];
	_ =	sdelay $0x2  }
0x13: {  	s16 =	simm.s32 $0x40  }
.LBB2_2:
0x14: {  	p0 =	sne.s32 s16, $0x7C0  }
.Ltmp0:
0x15: {  	s17 =	sshra.s32 s16, $0x2;
	s16 =	sadd.s32 $0x40, s16;
	v1 =	vshra.s32 v0, $0x1;
	v2 =	vmov v0;
	(pc) =	sbr.rel @p0 .LBB2_2-.Ltmp0, $4  }
0x16: {  	v0 =	vld [tilespmem:s17+$0x0];
	v1 =	vand.u32 $0xFFFFE000, v1;
	v3 =	vand.u32 $0x1FFF, v2  }
0x17: {  	vm0 =	vgt.s32 v2, $0xF3FFF;
	v2 =	vadd.s32 $0xFFF86000, v2;
	v1 =	vor.u32 v3, v1  }
0x18: {  	v1 =	vsel vm0, v2, v1  }
0x19: {  	[tilespmem:s15+$0x200] =	vst v1;
	s15 =	smov.u32 s17  }
0x1a: {  	_ = 	snop  }
0x1b: {  	v1 =	vshra.s32 v0, $0x1  }
0x1c: {  	v2 =	vand.u32 $0x1FFF, v0;
	v1 =	vand.u32 $0xFFFFE000, v1  }
0x1d: {  	vm0 =	vgt.s32 v0, $0xF3FFF;
	v0 =	vadd.s32 $0xFFF86000, v0;
	v1 =	vor.u32 v2, v1  }
0x1e: {  	v0 =	vsel vm0, v0, v1  }
0x1f: {  	[tilespmem:s15+$0x200] =	vst v0  }
0x20: {  	[tilespmem:s12], [sflag:$0x1] =	stream.indirect.gather [hbm4b:s3+s11], $0x80, s11, s11, $0xb8;
	[tilespmem:$0x10400] =	vst v63  }
0x21: {  	_ =	swait.ge [sflag:s13], $0x10000  }
0x22: {  	[sflag:s13] =	ssyncset.done $0x0  }
0x23: {  	s31 =	simm.s32 $0x0;
	[sflag:s13] =	ssyncadd.s32 $0xFFFF0000  }
0x24: {  	[hbm4b:s6+s31] =	stream.linear.scatter [tilespmem:s12], [sflag:$0x2], $0x10000, $0x38;
	[tilespmem:$0x10400] =	vst v63  }
0x25: {  	_ =	swait.ge [sflag:s10], $0x10000  }
0x26: {  	[sflag:s10] =	ssyncset.done $0x0  }
0x27: {  	[sflag:s10] =	ssyncadd.s32 $0xFFFF0000  }
0x28: {  	[tilespmem:s31], [sflag:$0x2] =	stream.linear.gather [hbm4b:s7+s31], $0x200, $0x38;
	[tilespmem:$0x10400] =	vst v63  }
0x29: {  	_ =	swait.ge [sflag:s10], $0x200  }
0x2a: {  	[sflag:s10] =	ssyncset.done $0x0  }
0x2b: {  	s15 =	simm.s32 $0x0;
	[sflag:s10] =	ssyncadd.s32 $0xFFFFFE00  }
0x2c: {  	v0 =	vld [tilespmem:s15+$0x0];
	_ =	sdelay $0x2  }
0x2d: {  	s16 =	simm.s32 $0x40  }
.LBB2_4:
0x2e: {  	p0 =	sne.s32 s16, $0x7C0  }
.Ltmp1:
0x2f: {  	s17 =	sshra.s32 s16, $0x2;
	s16 =	sadd.s32 $0x40, s16;
	v1 =	vshra.s32 v0, $0x1;
	v2 =	vmov v0;
	(pc) =	sbr.rel @p0 .LBB2_4-.Ltmp1, $4  }
0x30: {  	v0 =	vld [tilespmem:s17+$0x0];
	v1 =	vand.u32 $0xFFFFE000, v1;
	v3 =	vand.u32 $0x1FFF, v2  }
0x31: {  	vm0 =	vgt.s32 v2, $0xF3FFF;
	v2 =	vadd.s32 $0xFFF86000, v2;
	v1 =	vor.u32 v3, v1  }
0x32: {  	v1 =	vsel vm0, v2, v1  }
0x33: {  	[tilespmem:s15+$0x200] =	vst v1;
	s15 =	smov.u32 s17  }
0x34: {  	_ = 	snop  }
0x35: {  	v1 =	vshra.s32 v0, $0x1  }
0x36: {  	v2 =	vand.u32 $0x1FFF, v0;
	v1 =	vand.u32 $0xFFFFE000, v1  }
0x37: {  	vm0 =	vgt.s32 v0, $0xF3FFF;
	v63 =	vadd.s32 $0xFFF86000, v0;
	v1 =	vor.u32 v2, v1  }
0x38: {  	v0 =	vsel vm0, v63, v1  }
0x39: {  	[tilespmem:s15+$0x200] =	vst v0  }
0x3a: {  	[tilespmem:s12], [sflag:$0x1] =	stream.indirect.gather [hbm4b:s4+s11], $0x80, s11, s11, $0xb8;
	[tilespmem:$0x10400] =	vst v63  }
0x3b: {  	s14 =	sadd.s32 $0x1, s14;
	_ =	swait.ge [sflag:s13], $0x10000  }
0x3c: {  	p0 =	sne.s32 s14, s9;
	[sflag:s13] =	ssyncset.done $0x0  }
.Ltmp2:
0x3d: {  	[sflag:s13] =	ssyncadd.s32 $0xFFFF0000;
	(pc) =	sbr.rel @p0 .LBB2_1-.Ltmp2, $4  }
0x3e: {  	[hbm4b:s8+s2] =	stream.linear.scatter [tilespmem:s12], [sflag:$0x2], $0x10000, $0x38;
	[tilespmem:$0x10400] =	vst v63  }
0x3f: {  	_ =	swait.ge [sflag:s10], $0x10000  }
0x40: {  	[sflag:s10] =	ssyncset.done $0x0  }
0x41: {  	[sflag:s10] =	ssyncadd.s32 $0xFFFF0000  }
0x42: {  	_ =	sfence.sel $0x180000  }
0x43: {  	[bflag:$0x0] =	sbarrier.arrive $0xFFFF  }
0x44: {  	p0 =	sne.s32 s1, $0x0;
	_ =	strace $0x90000047  }
0x45: {  	s0 =	sadd.s32 @!p0 $0x100000, s0;
	[bflag:$0x2] =	sbarrier.arrive $0xFFFF  }
0x46: {  	[sflag:s0] =	ssyncadd.tile.s32 @!p0 $0x1;
	_ =	shalt  }
.Lfunc_end2:
_tile_overlayer_lowered:
.L_overlay_start_2:
0x47: {  	(tag) =	ssettag $0x2  }
0x48: {  	s0 =	rddreg [dreg:$0x0];
	s2 =	stileid.u32  }
0x49: {  	s1 =	rddreg [dreg:$0x1];
	p0 =	sne.s32 s2, $0x0  }
0x4a: {  	s3 =	rddreg [dreg:$0x2];
	[bflag:$0x3] =	sbarrier.arrive $0xFFFF;
	s2 =	simm.s32 @!p0 $0x1C02  }
0x4b: {  	[timem:s3], [sflag:s2] =	dma.local @!p0 [hbm:s0], s1  }
0x4c: {  	s0 =	simm.s32 @!p0 $0x2  }
0x4d: {  	_ =	swait.ge @!p0 [sflag:s0], s1  }
0x4e: {  	s1 =	ssub.s32 @!p0 $0x0, s1;
	[sflag:s0] =	ssyncset.done @!p0 $0x0  }
0x4f: {  	[sflag:s0] =	ssyncadd.s32 @!p0 s1  }
0x50: {  	[bflag:$0x3] =	sbarrier.arrive $0xFFFF  }
0x51: {  	_ =	shalt  }

</sc_bundles>
